<compile_context>
chip_gen: v7x
topology: tpu7x:2x2x1
jax: 0.10.2.dev20260603
libtpu: 0.0.44.dev20260713+nightly
codegen_flags: <defaults>
</compile_context>

<pallas_src>
import jax
import jax.numpy as jnp
from jax import lax
from jax.experimental import pallas as pl
from jax.experimental.pallas import tpu as pltpu
from jax.experimental.pallas import tpu_sc as plsc

N = 448
TBL = 512
HALF = 32
WIDE = 128
BI = 8
RPW = 32
NCHUNK = N // RPW


def _sc_gather(ftab_ref, pos_ref, g_ref, idx_v, rows_v, sem):
    wid = lax.axis_index("s") * 2 + lax.axis_index("c")
    base = lax.rem(wid, NCHUNK) * RPW

    @pl.when(wid < NCHUNK)
    def _t0():
        pltpu.sync_copy(pos_ref.at[0, pl.ds(base, RPW)], idx_v)
        pltpu.async_copy(ftab_ref.at[idx_v], rows_v, sem).wait()
        pltpu.sync_copy(rows_v, g_ref.at[pl.ds(base, RPW)])

    @pl.when((wid >= NCHUNK) & (wid < 2 * NCHUNK))
    def _t1():
        pltpu.sync_copy(pos_ref.at[1, pl.ds(base, RPW)], idx_v)
        pltpu.async_copy(ftab_ref.at[idx_v], rows_v, sem).wait()
        pltpu.sync_copy(rows_v, g_ref.at[pl.ds(N + base, RPW)])


def _tc_body(g_ref, re_ref, im_ref, a_scr):
    i = pl.program_id(0)

    @pl.when(i == 0)
    def _prep():
        g0 = g_ref[0:N, 0:HALF]
        g1 = g_ref[N:2 * N, HALF:2 * HALF]
        a_scr[0] = jnp.cos(g0)
        a_scr[1] = jnp.sin(g0)
        a_scr[2] = jnp.cos(g1)
        a_scr[3] = jnp.sin(g1)

    blk = pl.ds(i * BI, BI)
    re_ref[:, :, 0:HALF] = jnp.broadcast_to(
        a_scr[0, blk, :][:, None, :], (BI, N, HALF))
    im_ref[:, :, 0:HALF] = jnp.broadcast_to(
        a_scr[1, blk, :][:, None, :], (BI, N, HALF))
    re_ref[:, :, HALF:2 * HALF] = jnp.broadcast_to(
        a_scr[2][None, :, :], (BI, N, HALF))
    im_ref[:, :, HALF:2 * HALF] = jnp.broadcast_to(
        a_scr[3][None, :, :], (BI, N, HALF))


def kernel(freqs0, freqs1, start0, length0, start1, length1):
    ftab = jnp.concatenate(
        [freqs0, freqs1, jnp.zeros((TBL, WIDE - 2 * HALF), jnp.float32)],
        axis=1)
    r = jnp.arange(N, dtype=jnp.int32)
    pos = jnp.stack([
        jnp.int32(start0) + jnp.minimum(r, jnp.int32(length0) - 1),
        jnp.int32(start1) + jnp.minimum(r, jnp.int32(length1) - 1),
    ])

    mesh = plsc.VectorSubcoreMesh(
        core_axis_name="c", subcore_axis_name="s",
        num_cores=2, num_subcores=16)
    g = pl.kernel(
        _sc_gather,
        mesh=mesh,
        out_type=jax.ShapeDtypeStruct((2 * N, WIDE), jnp.float32),
        scratch_types=[
            pltpu.VMEM((RPW,), jnp.int32),
            pltpu.VMEM((RPW, WIDE), jnp.float32),
            pltpu.SemaphoreType.DMA,
        ],
    )(ftab, pos)

    re, im = pl.pallas_call(
        _tc_body,
        grid=(N // BI,),
        in_specs=[pl.BlockSpec((2 * N, WIDE), lambda i: (0, 0))],
        out_specs=[
            pl.BlockSpec((BI, N, HALF * 2), lambda i: (i, 0, 0)),
            pl.BlockSpec((BI, N, HALF * 2), lambda i: (i, 0, 0)),
        ],
        out_shape=[
            jax.ShapeDtypeStruct((N, N, HALF * 2), jnp.float32),
            jax.ShapeDtypeStruct((N, N, HALF * 2), jnp.float32),
        ],
        scratch_shapes=[pltpu.VMEM((4, N, HALF), jnp.float32)],
    )(g)
    out = jax.lax.complex(re, im)
    return out.reshape(N * N, HALF * 2)

# --- scband reference (transcript-rebuilt; emitter-appended) ---
"""Pipeline reference for scband-rope-nd-49203145343255 (READ-ONLY COPY).

The authoritative reference and input builder live on the scoring server;
editing this copy changes nothing except your own understanding.
"""

import jax, jax.numpy as jnp
import numpy as np

DIMS = (64, 64)
MAX_LENS = (512, 512)
THETA = 10000.0


def _freqs(length, dim, theta):
    # angles of compute_rope: timestep[:, None] * omega, float64 -> float32 (matches torch)
    omega = 1.0 / theta ** (np.arange(0, dim, 2, dtype=np.float64) / dim)
    t = np.arange(length, dtype=np.float64)
    return jnp.asarray((t[:, None] * omega).astype(np.float32))


def setup_inputs() -> dict:
    # start/length are static ints (they define output shapes), matching create(start_list, length_list)
    return {
        "freqs0": _freqs(MAX_LENS[0], DIMS[0], THETA),
        "freqs1": _freqs(MAX_LENS[1], DIMS[1], THETA),
        "start0": 0,
        "length0": 448,
        "start1": 0,
        "length1": 448,
    }


def reference(freqs0, freqs1, start0, length0, start1, length1):
    # torch.polar(ones, freqs) == cos(freqs) + i*sin(freqs)
    rope0 = jax.lax.complex(jnp.cos(freqs0), jnp.sin(freqs0))  # [512, 32] c64
    rope1 = jax.lax.complex(jnp.cos(freqs1), jnp.sin(freqs1))  # [512, 32] c64
    pos0 = start0 + jnp.minimum(jnp.arange(448), length0 - 1)
    pos1 = start1 + jnp.minimum(jnp.arange(448), length1 - 1)
    g0, g1 = jnp.meshgrid(pos0, pos1, indexing="ij")
    r0 = jnp.take(rope0, g0.reshape(-1), axis=0)  # gather [L0*L1, 32]
    r1 = jnp.take(rope1, g1.reshape(-1), axis=0)  # gather [L0*L1, 32]
    return jnp.concatenate([r0, r1], axis=-1)  # [200704, 64] complex64

if __name__ == "__main__":
    import jax
    _d = setup_inputs()
    print(jax.jit(kernel)(*tuple(_d.values())))

</pallas_src>

<mosaic_0001>
#map = affine_map<(d0, d1) -> (0, 0)>
module attributes {stable_mosaic.version = 14 : i64} {
  func.func @_sc_gather(%arg0: i32, %arg1: i32, %arg2: memref<512x128xf32, #tpu.memory_space<hbm>>, %arg3: memref<2x448xi32, #tpu.memory_space<hbm>>, %arg4: memref<896x128xf32, #tpu.memory_space<hbm>>, %arg5: memref<32xi32, #tpu.memory_space<vmem>>, %arg6: memref<32x128xf32, #tpu.memory_space<vmem>>, %arg7: memref<!tpu.dma_semaphore, #tpu.memory_space<semaphore_mem>>) attributes {dimension_semantics = [#tpu.dimension_semantics<core_parallel>, #tpu.dimension_semantics<subcore_parallel>], iteration_bounds = array<i64: 2, 16>, scalar_prefetch = 0 : i64, scratch_operands = 3 : i64, tpu.core_type = #tpu.core_type<sc_vector_subcore>, window_params = [{transform_indices = #map}, {transform_indices = #map}, {transform_indices = #map}]} {
    %mul3A = arith.constant 2 : i32
    %mul3A_0 = arith.muli %arg1, %mul3A : i32
    %add3A = arith.addi %mul3A_0, %arg0 : i32
    %rem3A = arith.constant 14 : i32
    %rem3A_1 = arith.remsi %add3A, %rem3A : i32
    %mul3A_2 = arith.constant 32 : i32
    %mul3A_3 = arith.muli %rem3A_1, %mul3A_2 : i32
    %lt3A = arith.constant 14 : i32
    %lt3A_4 = arith.cmpi slt, %add3A, %lt3A : i32
    %convert_element_type3A = arith.extui %lt3A_4 : i1 to i32
    %cond3A = arith.constant 0 : i32
    %cond3A_5 = arith.cmpi ne, %convert_element_type3A, %cond3A : i32
    scf.if %cond3A_5 {
      %run_scoped3A = arith.constant 0 : i32
      "tpu.region"() ({
        %run_scoped3A_16 = tpu.sem_alloc : memref<!tpu.dma_semaphore, #tpu.memory_space<semaphore_mem>>
        %dma_start3A_17 = tpu.memref_slice %arg3[%run_scoped3A, %mul3A_3] : memref<2x448xi32, #tpu.memory_space<hbm>> -> memref<1x32xi32, #tpu.memory_space<hbm>>
        %dma_start3A_18 = tpu.memref_squeeze %dma_start3A_17 : memref<1x32xi32, #tpu.memory_space<hbm>> -> memref<32xi32, #tpu.memory_space<hbm>>
        %dma_start3A_19 = tpu.memref_slice %arg3[%run_scoped3A, %mul3A_3] : memref<2x448xi32, #tpu.memory_space<hbm>> -> memref<1x32xi32, #tpu.memory_space<hbm>>
        %dma_start3A_20 = tpu.memref_squeeze %dma_start3A_19 : memref<1x32xi32, #tpu.memory_space<hbm>> -> memref<32xi32, #tpu.memory_space<hbm>>
        tpu.enqueue_dma source(%dma_start3A_20 : memref<32xi32, #tpu.memory_space<hbm>>) target(%arg5 : memref<32xi32, #tpu.memory_space<vmem>>) target_semaphore(%run_scoped3A_16 : memref<!tpu.dma_semaphore, #tpu.memory_space<semaphore_mem>>)
        %dma_wait3A_21 = tpu.memref_slice %arg3[%run_scoped3A, %mul3A_3] : memref<2x448xi32, #tpu.memory_space<hbm>> -> memref<1x32xi32, #tpu.memory_space<hbm>>
        %dma_wait3A_22 = tpu.memref_squeeze %dma_wait3A_21 : memref<1x32xi32, #tpu.memory_space<hbm>> -> memref<32xi32, #tpu.memory_space<hbm>>
        %dma_wait3A_23 = tpu.memref_slice %arg3[%run_scoped3A, %mul3A_3] : memref<2x448xi32, #tpu.memory_space<hbm>> -> memref<1x32xi32, #tpu.memory_space<hbm>>
        %dma_wait3A_24 = tpu.memref_squeeze %dma_wait3A_23 : memref<1x32xi32, #tpu.memory_space<hbm>> -> memref<32xi32, #tpu.memory_space<hbm>>
        tpu.wait_dma2 semaphore(%run_scoped3A_16 : memref<!tpu.dma_semaphore, #tpu.memory_space<semaphore_mem>>) src(%dma_wait3A_24 : memref<32xi32, #tpu.memory_space<hbm>>) dst(%arg5 : memref<32xi32, #tpu.memory_space<vmem>>)
        tpu.yield
      }) : () -> ()
      %dma_start3A = arith.constant 0 : i32
      %dma_start3A_12 = arith.constant 0 : i32
      %dma_start3A_13 = tpu.memref_slice %arg2[%dma_start3A, %dma_start3A_12] : memref<512x128xf32, #tpu.memory_space<hbm>> -> memref<512x128xf32, #tpu.memory_space<hbm>>
      tpu.enqueue_indirect_dma source(%dma_start3A_13 : memref<512x128xf32, #tpu.memory_space<hbm>>) target(%arg6 : memref<32x128xf32, #tpu.memory_space<vmem>>) offsets(%arg5 : memref<32xi32, #tpu.memory_space<vmem>>) semaphore(%arg7 : memref<!tpu.dma_semaphore, #tpu.memory_space<semaphore_mem>>)
      %dma_wait3A = arith.constant 0 : i32
      %dma_wait3A_14 = arith.constant 0 : i32
      %dma_wait3A_15 = tpu.memref_slice %arg2[%dma_wait3A, %dma_wait3A_14] : memref<512x128xf32, #tpu.memory_space<hbm>> -> memref<512x128xf32, #tpu.memory_space<hbm>>
      tpu.wait_indirect_dma semaphore(%arg7 : memref<!tpu.dma_semaphore, #tpu.memory_space<semaphore_mem>>) src(%dma_wait3A_15 : memref<512x128xf32, #tpu.memory_space<hbm>>) dst(%arg6 : memref<32x128xf32, #tpu.memory_space<vmem>>)
      "tpu.region"() ({
        %run_scoped3A_16 = tpu.sem_alloc : memref<!tpu.dma_semaphore, #tpu.memory_space<semaphore_mem>>
        %dma_start3A_17 = arith.constant 0 : i32
        %dma_start3A_18 = tpu.memref_slice %arg4[%mul3A_3, %dma_start3A_17] : memref<896x128xf32, #tpu.memory_space<hbm>> -> memref<32x128xf32, #tpu.memory_space<hbm>>
        %dma_start3A_19 = arith.constant 0 : i32
        %dma_start3A_20 = tpu.memref_slice %arg4[%mul3A_3, %dma_start3A_19] : memref<896x128xf32, #tpu.memory_space<hbm>> -> memref<32x128xf32, #tpu.memory_space<hbm>>
        tpu.enqueue_dma source(%arg6 : memref<32x128xf32, #tpu.memory_space<vmem>>) target(%dma_start3A_20 : memref<32x128xf32, #tpu.memory_space<hbm>>) target_semaphore(%run_scoped3A_16 : memref<!tpu.dma_semaphore, #tpu.memory_space<semaphore_mem>>)
        %dma_wait3A_21 = arith.constant 0 : i32
        %dma_wait3A_22 = tpu.memref_slice %arg4[%mul3A_3, %dma_wait3A_21] : memref<896x128xf32, #tpu.memory_space<hbm>> -> memref<32x128xf32, #tpu.memory_space<hbm>>
        %dma_wait3A_23 = arith.constant 0 : i32
        %dma_wait3A_24 = tpu.memref_slice %arg4[%mul3A_3, %dma_wait3A_23] : memref<896x128xf32, #tpu.memory_space<hbm>> -> memref<32x128xf32, #tpu.memory_space<hbm>>
        tpu.wait_dma2 semaphore(%run_scoped3A_16 : memref<!tpu.dma_semaphore, #tpu.memory_space<semaphore_mem>>) src(%arg6 : memref<32x128xf32, #tpu.memory_space<vmem>>) dst(%dma_wait3A_24 : memref<32x128xf32, #tpu.memory_space<hbm>>)
        tpu.yield
      }) : () -> ()
    } else {
    }
    %ge3A = arith.constant 14 : i32
    %ge3A_6 = arith.cmpi sge, %add3A, %ge3A : i32
    %lt3A_7 = arith.constant 28 : i32
    %lt3A_8 = arith.cmpi slt, %add3A, %lt3A_7 : i32
    %and3A = arith.andi %ge3A_6, %lt3A_8 : i1
    %convert_element_type3A_9 = arith.extui %and3A : i1 to i32
    %cond3A_10 = arith.constant 0 : i32
    %cond3A_11 = arith.cmpi ne, %convert_element_type3A_9, %cond3A_10 : i32
    scf.if %cond3A_11 {
      %run_scoped3A = arith.constant 1 : i32
      "tpu.region"() ({
        %run_scoped3A_18 = tpu.sem_alloc : memref<!tpu.dma_semaphore, #tpu.memory_space<semaphore_mem>>
        %dma_start3A_19 = tpu.memref_slice %arg3[%run_scoped3A, %mul3A_3] : memref<2x448xi32, #tpu.memory_space<hbm>> -> memref<1x32xi32, #tpu.memory_space<hbm>>
        %dma_start3A_20 = tpu.memref_squeeze %dma_start3A_19 : memref<1x32xi32, #tpu.memory_space<hbm>> -> memref<32xi32, #tpu.memory_space<hbm>>
        %dma_start3A_21 = tpu.memref_slice %arg3[%run_scoped3A, %mul3A_3] : memref<2x448xi32, #tpu.memory_space<hbm>> -> memref<1x32xi32, #tpu.memory_space<hbm>>
        %dma_start3A_22 = tpu.memref_squeeze %dma_start3A_21 : memref<1x32xi32, #tpu.memory_space<hbm>> -> memref<32xi32, #tpu.memory_space<hbm>>
        tpu.enqueue_dma source(%dma_start3A_22 : memref<32xi32, #tpu.memory_space<hbm>>) target(%arg5 : memref<32xi32, #tpu.memory_space<vmem>>) target_semaphore(%run_scoped3A_18 : memref<!tpu.dma_semaphore, #tpu.memory_space<semaphore_mem>>)
        %dma_wait3A_23 = tpu.memref_slice %arg3[%run_scoped3A, %mul3A_3] : memref<2x448xi32, #tpu.memory_space<hbm>> -> memref<1x32xi32, #tpu.memory_space<hbm>>
        %dma_wait3A_24 = tpu.memref_squeeze %dma_wait3A_23 : memref<1x32xi32, #tpu.memory_space<hbm>> -> memref<32xi32, #tpu.memory_space<hbm>>
        %dma_wait3A_25 = tpu.memref_slice %arg3[%run_scoped3A, %mul3A_3] : memref<2x448xi32, #tpu.memory_space<hbm>> -> memref<1x32xi32, #tpu.memory_space<hbm>>
        %dma_wait3A_26 = tpu.memref_squeeze %dma_wait3A_25 : memref<1x32xi32, #tpu.memory_space<hbm>> -> memref<32xi32, #tpu.memory_space<hbm>>
        tpu.wait_dma2 semaphore(%run_scoped3A_18 : memref<!tpu.dma_semaphore, #tpu.memory_space<semaphore_mem>>) src(%dma_wait3A_26 : memref<32xi32, #tpu.memory_space<hbm>>) dst(%arg5 : memref<32xi32, #tpu.memory_space<vmem>>)
        tpu.yield
      }) : () -> ()
      %dma_start3A = arith.constant 0 : i32
      %dma_start3A_12 = arith.constant 0 : i32
      %dma_start3A_13 = tpu.memref_slice %arg2[%dma_start3A, %dma_start3A_12] : memref<512x128xf32, #tpu.memory_space<hbm>> -> memref<512x128xf32, #tpu.memory_space<hbm>>
      tpu.enqueue_indirect_dma source(%dma_start3A_13 : memref<512x128xf32, #tpu.memory_space<hbm>>) target(%arg6 : memref<32x128xf32, #tpu.memory_space<vmem>>) offsets(%arg5 : memref<32xi32, #tpu.memory_space<vmem>>) semaphore(%arg7 : memref<!tpu.dma_semaphore, #tpu.memory_space<semaphore_mem>>)
      %dma_wait3A = arith.constant 0 : i32
      %dma_wait3A_14 = arith.constant 0 : i32
      %dma_wait3A_15 = tpu.memref_slice %arg2[%dma_wait3A, %dma_wait3A_14] : memref<512x128xf32, #tpu.memory_space<hbm>> -> memref<512x128xf32, #tpu.memory_space<hbm>>
      tpu.wait_indirect_dma semaphore(%arg7 : memref<!tpu.dma_semaphore, #tpu.memory_space<semaphore_mem>>) src(%dma_wait3A_15 : memref<512x128xf32, #tpu.memory_space<hbm>>) dst(%arg6 : memref<32x128xf32, #tpu.memory_space<vmem>>)
      %add3A_16 = arith.constant 448 : i32
      %add3A_17 = arith.addi %add3A_16, %mul3A_3 : i32
      "tpu.region"() ({
        %run_scoped3A_18 = tpu.sem_alloc : memref<!tpu.dma_semaphore, #tpu.memory_space<semaphore_mem>>
        %dma_start3A_19 = arith.constant 0 : i32
        %dma_start3A_20 = tpu.memref_slice %arg4[%add3A_17, %dma_start3A_19] : memref<896x128xf32, #tpu.memory_space<hbm>> -> memref<32x128xf32, #tpu.memory_space<hbm>>
        %dma_start3A_21 = arith.constant 0 : i32
        %dma_start3A_22 = tpu.memref_slice %arg4[%add3A_17, %dma_start3A_21] : memref<896x128xf32, #tpu.memory_space<hbm>> -> memref<32x128xf32, #tpu.memory_space<hbm>>
        tpu.enqueue_dma source(%arg6 : memref<32x128xf32, #tpu.memory_space<vmem>>) target(%dma_start3A_22 : memref<32x128xf32, #tpu.memory_space<hbm>>) target_semaphore(%run_scoped3A_18 : memref<!tpu.dma_semaphore, #tpu.memory_space<semaphore_mem>>)
        %dma_wait3A_23 = arith.constant 0 : i32
        %dma_wait3A_24 = tpu.memref_slice %arg4[%add3A_17, %dma_wait3A_23] : memref<896x128xf32, #tpu.memory_space<hbm>> -> memref<32x128xf32, #tpu.memory_space<hbm>>
        %dma_wait3A_25 = arith.constant 0 : i32
        %dma_wait3A_26 = tpu.memref_slice %arg4[%add3A_17, %dma_wait3A_25] : memref<896x128xf32, #tpu.memory_space<hbm>> -> memref<32x128xf32, #tpu.memory_space<hbm>>
        tpu.wait_dma2 semaphore(%run_scoped3A_18 : memref<!tpu.dma_semaphore, #tpu.memory_space<semaphore_mem>>) src(%arg6 : memref<32x128xf32, #tpu.memory_space<vmem>>) dst(%dma_wait3A_26 : memref<32x128xf32, #tpu.memory_space<hbm>>)
        tpu.yield
      }) : () -> ()
    } else {
    }
    return
  }
}

module attributes {stable_mosaic.version = 14 : i64} {
  func.func @_tc_body(%arg0: i32, %arg1: memref<896x128xf32, #tpu.memory_space<vmem>>, %arg2: memref<8x448x64xf32, #tpu.memory_space<vmem>>, %arg3: memref<8x448x64xf32, #tpu.memory_space<vmem>>, %arg4: memref<4x448x32xf32, #tpu.memory_space<vmem>>) attributes {dimension_semantics = [#tpu.dimension_semantics<arbitrary>], iteration_bounds = array<i64: 56>, scalar_prefetch = 0 : i64, scratch_operands = 1 : i64, tpu.core_type = #tpu.core_type<tc>, window_params = [{pipeline_mode = #tpu.pipeline_mode<synchronous>, transform_indices = @transform_0, window_bounds = array<i64: 896, 128>}, {transform_indices = @transform_1, window_bounds = array<i64: 8, 448, 64>}, {transform_indices = @transform_2, window_bounds = array<i64: 8, 448, 64>}]} {
    %eq3A = arith.constant 0 : i32
    %eq3A_0 = arith.cmpi eq, %arg0, %eq3A : i32
    %convert_element_type3A = arith.extui %eq3A_0 : i1 to i32
    %cond3A = arith.constant 0 : i32
    %cond3A_1 = arith.cmpi ne, %convert_element_type3A, %cond3A : i32
    scf.if %cond3A_1 {
      %get3A_48 = arith.constant 0 : index
      %get3A_49 = arith.constant 0 : index
      %get3A_50 = vector.load %arg1[%get3A_48, %get3A_49] : memref<896x128xf32, #tpu.memory_space<vmem>>, vector<448x32xf32>
      %get3A_51 = arith.constant 448 : index
      %get3A_52 = arith.constant 32 : index
      %get3A_53 = vector.load %arg1[%get3A_51, %get3A_52] : memref<896x128xf32, #tpu.memory_space<vmem>>, vector<448x32xf32>
      %cos3A = math.cos %get3A_50 : vector<448x32xf32>
      %swap3A_54 = arith.constant 0 : index
      %swap3A_55 = arith.constant 0 : index
      %swap3A_56 = arith.constant 0 : index
      %swap3A_57 = vector.load %arg4[%swap3A_54, %swap3A_55, %swap3A_56] : memref<4x448x32xf32, #tpu.memory_space<vmem>>, vector<1x448x32xf32>
      %swap3A_58 = vector.shape_cast %swap3A_57 : vector<1x448x32xf32> to vector<448x32xf32>
      %swap3A_59 = vector.shape_cast %cos3A : vector<448x32xf32> to vector<1x448x32xf32>
      tpu.vector_store %arg4[%swap3A_54, %swap3A_55, %swap3A_56], %swap3A_59 {strides = array<i32>} : memref<4x448x32xf32, #tpu.memory_space<vmem>>, vector<1x448x32xf32>,
      %sin3A = math.sin %get3A_50 : vector<448x32xf32>
      %swap3A_60 = arith.constant 1 : index
      %swap3A_61 = arith.constant 0 : index
      %swap3A_62 = arith.constant 0 : index
      %swap3A_63 = vector.load %arg4[%swap3A_60, %swap3A_61, %swap3A_62] : memref<4x448x32xf32, #tpu.memory_space<vmem>>, vector<1x448x32xf32>
      %swap3A_64 = vector.shape_cast %swap3A_63 : vector<1x448x32xf32> to vector<448x32xf32>
      %swap3A_65 = vector.shape_cast %sin3A : vector<448x32xf32> to vector<1x448x32xf32>
      tpu.vector_store %arg4[%swap3A_60, %swap3A_61, %swap3A_62], %swap3A_65 {strides = array<i32>} : memref<4x448x32xf32, #tpu.memory_space<vmem>>, vector<1x448x32xf32>,
      %cos3A_66 = math.cos %get3A_53 : vector<448x32xf32>
      %swap3A_67 = arith.constant 2 : index
      %swap3A_68 = arith.constant 0 : index
      %swap3A_69 = arith.constant 0 : index
      %swap3A_70 = vector.load %arg4[%swap3A_67, %swap3A_68, %swap3A_69] : memref<4x448x32xf32, #tpu.memory_space<vmem>>, vector<1x448x32xf32>
      %swap3A_71 = vector.shape_cast %swap3A_70 : vector<1x448x32xf32> to vector<448x32xf32>
      %swap3A_72 = vector.shape_cast %cos3A_66 : vector<448x32xf32> to vector<1x448x32xf32>
      tpu.vector_store %arg4[%swap3A_67, %swap3A_68, %swap3A_69], %swap3A_72 {strides = array<i32>} : memref<4x448x32xf32, #tpu.memory_space<vmem>>, vector<1x448x32xf32>,
      %sin3A_73 = math.sin %get3A_53 : vector<448x32xf32>
      %swap3A_74 = arith.constant 3 : index
      %swap3A_75 = arith.constant 0 : index
      %swap3A_76 = arith.constant 0 : index
      %swap3A_77 = vector.load %arg4[%swap3A_74, %swap3A_75, %swap3A_76] : memref<4x448x32xf32, #tpu.memory_space<vmem>>, vector<1x448x32xf32>
      %swap3A_78 = vector.shape_cast %swap3A_77 : vector<1x448x32xf32> to vector<448x32xf32>
      %swap3A_79 = vector.shape_cast %sin3A_73 : vector<448x32xf32> to vector<1x448x32xf32>
      tpu.vector_store %arg4[%swap3A_74, %swap3A_75, %swap3A_76], %swap3A_79 {strides = array<i32>} : memref<4x448x32xf32, #tpu.memory_space<vmem>>, vector<1x448x32xf32>,
    } else {
    }
    %mul3A = arith.constant 8 : i32
    %mul3A_2 = arith.muli %arg0, %mul3A : i32
    %get3A = arith.constant 0 : index
    %get3A_3 = arith.index_cast %mul3A_2 : i32 to index
    %get3A_4 = arith.constant 0 : index
    %get3A_5 = vector.load %arg4[%get3A, %get3A_3, %get3A_4] : memref<4x448x32xf32, #tpu.memory_space<vmem>>, vector<1x8x32xf32>
    %get3A_6 = vector.shape_cast %get3A_5 : vector<1x8x32xf32> to vector<8x32xf32>
    %broadcast_in_dim3A = vector.shape_cast %get3A_6 : vector<8x32xf32> to vector<8x1x32xf32>
    %broadcast_in_dim3A_7 = vector.shape_cast %broadcast_in_dim3A : vector<8x1x32xf32> to vector<8x1x32xf32>
    %broadcast_in_dim3A_8 = vector.broadcast %broadcast_in_dim3A_7 : vector<8x1x32xf32> to vector<8x448x32xf32>
    %swap3A = arith.constant 0 : index
    %swap3A_9 = arith.constant 0 : index
    %swap3A_10 = arith.constant 0 : index
    %swap3A_11 = vector.load %arg2[%swap3A, %swap3A_9, %swap3A_10] : memref<8x448x64xf32, #tpu.memory_space<vmem>>, vector<8x448x32xf32>
    tpu.vector_store %arg2[%swap3A, %swap3A_9, %swap3A_10], %broadcast_in_dim3A_8 {strides = array<i32>} : memref<8x448x64xf32, #tpu.memory_space<vmem>>, vector<8x448x32xf32>,
    %get3A_12 = arith.constant 1 : index
    %get3A_13 = arith.index_cast %mul3A_2 : i32 to index
    %get3A_14 = arith.constant 0 : index
    %get3A_15 = vector.load %arg4[%get3A_12, %get3A_13, %get3A_14] : memref<4x448x32xf32, #tpu.memory_space<vmem>>, vector<1x8x32xf32>
    %get3A_16 = vector.shape_cast %get3A_15 : vector<1x8x32xf32> to vector<8x32xf32>
    %broadcast_in_dim3A_17 = vector.shape_cast %get3A_16 : vector<8x32xf32> to vector<8x1x32xf32>
    %broadcast_in_dim3A_18 = vector.shape_cast %broadcast_in_dim3A_17 : vector<8x1x32xf32> to vector<8x1x32xf32>
    %broadcast_in_dim3A_19 = vector.broadcast %broadcast_in_dim3A_18 : vector<8x1x32xf32> to vector<8x448x32xf32>
    %swap3A_20 = arith.constant 0 : index
    %swap3A_21 = arith.constant 0 : index
    %swap3A_22 = arith.constant 0 : index
    %swap3A_23 = vector.load %arg3[%swap3A_20, %swap3A_21, %swap3A_22] : memref<8x448x64xf32, #tpu.memory_space<vmem>>, vector<8x448x32xf32>
    tpu.vector_store %arg3[%swap3A_20, %swap3A_21, %swap3A_22], %broadcast_in_dim3A_19 {strides = array<i32>} : memref<8x448x64xf32, #tpu.memory_space<vmem>>, vector<8x448x32xf32>,
    %get3A_24 = arith.constant 2 : index
    %get3A_25 = arith.constant 0 : index
    %get3A_26 = arith.constant 0 : index
    %get3A_27 = vector.load %arg4[%get3A_24, %get3A_25, %get3A_26] : memref<4x448x32xf32, #tpu.memory_space<vmem>>, vector<1x448x32xf32>
    %get3A_28 = vector.shape_cast %get3A_27 : vector<1x448x32xf32> to vector<448x32xf32>
    %broadcast_in_dim3A_29 = vector.shape_cast %get3A_28 : vector<448x32xf32> to vector<1x448x32xf32>
    %broadcast_in_dim3A_30 = vector.shape_cast %broadcast_in_dim3A_29 : vector<1x448x32xf32> to vector<1x448x32xf32>
    %broadcast_in_dim3A_31 = vector.broadcast %broadcast_in_dim3A_30 : vector<1x448x32xf32> to vector<8x448x32xf32>
    %swap3A_32 = arith.constant 0 : index
    %swap3A_33 = arith.constant 0 : index
    %swap3A_34 = arith.constant 32 : index
    %swap3A_35 = vector.load %arg2[%swap3A_32, %swap3A_33, %swap3A_34] : memref<8x448x64xf32, #tpu.memory_space<vmem>>, vector<8x448x32xf32>
    tpu.vector_store %arg2[%swap3A_32, %swap3A_33, %swap3A_34], %broadcast_in_dim3A_31 {strides = array<i32>} : memref<8x448x64xf32, #tpu.memory_space<vmem>>, vector<8x448x32xf32>,
    %get3A_36 = arith.constant 3 : index
    %get3A_37 = arith.constant 0 : index
    %get3A_38 = arith.constant 0 : index
    %get3A_39 = vector.load %arg4[%get3A_36, %get3A_37, %get3A_38] : memref<4x448x32xf32, #tpu.memory_space<vmem>>, vector<1x448x32xf32>
    %get3A_40 = vector.shape_cast %get3A_39 : vector<1x448x32xf32> to vector<448x32xf32>
    %broadcast_in_dim3A_41 = vector.shape_cast %get3A_40 : vector<448x32xf32> to vector<1x448x32xf32>
    %broadcast_in_dim3A_42 = vector.shape_cast %broadcast_in_dim3A_41 : vector<1x448x32xf32> to vector<1x448x32xf32>
    %broadcast_in_dim3A_43 = vector.broadcast %broadcast_in_dim3A_42 : vector<1x448x32xf32> to vector<8x448x32xf32>
    %swap3A_44 = arith.constant 0 : index
    %swap3A_45 = arith.constant 0 : index
    %swap3A_46 = arith.constant 32 : index
    %swap3A_47 = vector.load %arg3[%swap3A_44, %swap3A_45, %swap3A_46] : memref<8x448x64xf32, #tpu.memory_space<vmem>>, vector<8x448x32xf32>
    tpu.vector_store %arg3[%swap3A_44, %swap3A_45, %swap3A_46], %broadcast_in_dim3A_43 {strides = array<i32>} : memref<8x448x64xf32, #tpu.memory_space<vmem>>, vector<8x448x32xf32>,
    return
  }
  func.func @transform_0(%arg0: i32) -> (i32, i32) {
    %c0_i32 = arith.constant 0 : i32
    %c0_i32_0 = arith.constant 0 : i32
    %c0_i32_1 = arith.constant 0 : i32
    return %c0_i32, %c0_i32_0 : i32, i32
  }
  func.func @transform_1(%arg0: i32) -> (i32, i32, i32) {
    %c0_i32 = arith.constant 0 : i32
    %c0_i32_0 = arith.constant 0 : i32
    %c0_i32_1 = arith.constant 0 : i32
    return %arg0, %c0_i32, %c0_i32_0 : i32, i32, i32
  }
  func.func @transform_2(%arg0: i32) -> (i32, i32, i32) {
    %c0_i32 = arith.constant 0 : i32
    %c0_i32_0 = arith.constant 0 : i32
    %c0_i32_1 = arith.constant 0 : i32
    return %arg0, %c0_i32, %c0_i32_0 : i32, i32, i32
  }
}

</mosaic_0001>

<sc_bundles>
// kernel: kernel.4.cloned.1.call-start
scs
__scs_entry_jumppad:
0x0: {  	(pc) =	sbr.rel $0x88, $3  }
0x1: {  	(tag) =	ssettag $0x0;
	lr =	simm.s32 $0x1  }
0x2: {  	[smem:$0x3F9B] =	sst lr;
	_ =	strace $0xD0000000  }
0x3: {  	_ = 	snop  }
0x4: {  	_ = 	snop  }
0x5: {  	_ = 	snop  }
0x6: {  	_ = 	snop  }
0x7: {  	_ = 	snop  }
__scs_overlays_trampoline_lowered:
0x8: {  	[smem:$0x3FAA] =	sst s0  }
0x9: {  	[smem:$0x3FAB] =	sst s1  }
0xa: {  	[smem:$0x3FAC] =	sst s2  }
0xb: {  	[smem:$0x3FAD] =	sst s3  }
0xc: {  	[smem:$0x3FAE] =	sst s4  }
0xd: {  	[smem:$0x3FAF] =	sst s5  }
0xe: {  	[smem:$0x3FB0] =	sst s6  }
0xf: {  	[smem:$0x3FB1] =	sst s7  }
0x10: {  	[smem:$0x3FB2] =	sst s8  }
0x11: {  	[smem:$0x3FB3] =	sst s9;
	s0 =	simm.s32 @!p0 $0x0  }
0x12: {  	s1 =	sld [smem:$0x3F99];
	s0 =	simm.s32 @p0 $0x1  }
0x13: {  	[smem:$0x3FB4] =	sst s0;
	s0 =	simm.s32 @!p1 $0x0  }
0x14: {  	s2 =	sld [smem:$0x3F98];
	s0 =	simm.s32 @p1 $0x1  }
0x15: {  	[smem:$0x3FB5] =	sst s0;
	s0 =	simm.s32 @!p2 $0x0  }
0x16: {  	s3 =	sld [smem:$0x3FDB];
	s0 =	simm.s32 @p2 $0x1  }
0x17: {  	s4 =	simm.s32 $0x1BF5;
	[smem:$0x3FB7] =	sst s0  }
0x18: {  	s0 =	sld [smem:$0x3F9A];
	_ =	swait.ge [sflag:s4], $0x0  }
0x19: {  	s7 =	sld [smem:$0x3F9B]  }
0x1a: {  	s8 =	sadd.s32 $0xFFFFE003, lr  }
0x1b: {  	s9 =	sadd.s32 $0xFFFFFEF7, lr;
	s5 =	simm.s32 $0xFFFFFFFF;
	p2 =	slt.u32 s8, $0xFFFFF086  }
0x1c: {  	p1 =	slt.u32 s9, $0xF7A;
	s5 =	simm.s32 @!p2 $0x0  }
0x1d: {  	s5 =	simm.s32 @p1 $0x1;
	p0 =	seq.s32 s7, s2  }
0x1e: {  	s7 =	smul.u32 @!p0 $0xF7A, s2;
	p2 =	seq.s32 @!p0 s5, $0x0  }
0x1f: {  	s9 =	smul.u32 $0xF7A, s1;
	s8 =	simm.s32 @!p0 $0x1BF5;
	p2 =	por !p2, p0  }
0x20: {  	[sflag:s8] =	ssyncset.s32 @!p0 $0xFFFFF086;
	s6 =	sadd.s32 @!p0 s3, s7;
	s7 =	simm.s32 @!p0 $0x108  }
0x21: {  	s3 =	sadd.s32 s3, s9;
	s6 =	sadd.s32 @!p0 $0x88, s6;
	s7 =	simm.s32 @p2 $0x1082  }
0x22: {  	[simem:s7], [sflag:s8] =	dma.local @!p0 [hbm:s6], $0xF7A  }
0x23: {  	s9 =	sor.u32 $0xD0000000, s2;
	s6 =	simm.s32 $0x108;
	_ =	swait.ge @!p0 [sflag:s8], $0x0  }
0x24: {  	s3 =	sadd.s32 $0x88, s3;
	s6 =	simm.s32 @!p1 $0x1082;
	[sflag:s4] =	ssyncset.s32 $0xFFFFF086  }
0x25: {  	[simem:s6], [sflag:s4] =	dma.local [hbm:s3], $0xF7A  }
0x26: {  	[smem:$0x3F9B] =	sst s1;
	(tag) =	ssettag s2;
	_ =	strace s9  }
0x27: {  	s1 =	sld [smem:$0x3FAB]  }
0x28: {  	s2 =	sld [smem:$0x3FAC]  }
0x29: {  	s4 =	sld [smem:$0x3FAE]  }
0x2a: {  	p0 =	seq.s32 s5, $0x0;
	s5 =	sld [smem:$0x3FAF]  }
0x2b: {  	s6 =	sld [smem:$0x3FB0]  }
0x2c: {  	s7 =	sld [smem:$0x3FB1]  }
0x2d: {  	s3 =	simm.s32 $0x108;
	s8 =	sld [smem:$0x3FB2]  }
0x2e: {  	s3 =	simm.s32 @!p0 $0x1082;
	s9 =	sld [smem:$0x3FB3]  }
0x2f: {  	lr =	sadd.s32 s0, s3;
	s0 =	sld [smem:$0x3FAA]  }
0x30: {  	s3 =	sld [smem:$0x3FAD]  }
0x31: {  	[smem:$0x3FB6] =	sst s10  }
0x32: {  	s10 =	sld [smem:$0x3FB4];
	_ =	sdelay $0x3  }
0x33: {  	p0 =	seq.s32 s10, $0x1;
	s10 =	sld [smem:$0x3FB6];
	_ =	sdelay $0x3  }
0x34: {  	[smem:$0x3FB6] =	sst s10  }
0x35: {  	s10 =	sld [smem:$0x3FB5];
	_ =	sdelay $0x3  }
0x36: {  	p1 =	seq.s32 s10, $0x1;
	s10 =	sld [smem:$0x3FB6];
	_ =	sdelay $0x3  }
0x37: {  	[smem:$0x3FB6] =	sst s10  }
0x38: {  	s10 =	sld [smem:$0x3FB7]  }
0x39: {  	_ = 	snop;
	(pc) =	sbr.ind lr, $3  }
0x3a: {  	_ = 	snop  }
0x3b: {  	_ = 	snop  }
0x3c: {  	p2 =	seq.s32 s10, $0x1;
	s10 =	sld [smem:$0x3FB6]  }
0x3d: {  	_ =	shalt  }
0x3e: {  	_ =	shalt  }
0x3f: {  	_ =	shalt  }
0x40: {  	_ =	shalt  }
0x41: {  	_ =	shalt  }
0x42: {  	_ =	shalt  }
0x43: {  	_ =	shalt  }
0x44: {  	_ =	shalt  }
0x45: {  	_ =	shalt  }
0x46: {  	_ =	shalt  }
0x47: {  	_ =	shalt  }
0x48: {  	_ =	shalt  }
0x49: {  	_ =	shalt  }
0x4a: {  	_ =	shalt  }
0x4b: {  	_ =	shalt  }
0x4c: {  	_ =	shalt  }
0x4d: {  	_ =	shalt  }
0x4e: {  	_ =	shalt  }
0x4f: {  	_ =	shalt  }
0x50: {  	_ =	shalt  }
0x51: {  	_ =	shalt  }
0x52: {  	_ =	shalt  }
0x53: {  	_ =	shalt  }
0x54: {  	_ =	shalt  }
0x55: {  	_ =	shalt  }
0x56: {  	_ =	shalt  }
0x57: {  	_ =	shalt  }
0x58: {  	_ =	shalt  }
0x59: {  	_ =	shalt  }
0x5a: {  	_ =	shalt  }
0x5b: {  	_ =	shalt  }
0x5c: {  	_ =	shalt  }
0x5d: {  	_ =	shalt  }
0x5e: {  	_ =	shalt  }
0x5f: {  	_ =	shalt  }
0x60: {  	_ =	shalt  }
0x61: {  	_ =	shalt  }
0x62: {  	_ =	shalt  }
0x63: {  	_ =	shalt  }
0x64: {  	_ =	shalt  }
0x65: {  	_ =	shalt  }
0x66: {  	_ =	shalt  }
0x67: {  	_ =	shalt  }
0x68: {  	_ =	shalt  }
0x69: {  	_ =	shalt  }
0x6a: {  	_ =	shalt  }
0x6b: {  	_ =	shalt  }
0x6c: {  	_ =	shalt  }
0x6d: {  	_ =	shalt  }
0x6e: {  	_ =	shalt  }
0x6f: {  	_ =	shalt  }
0x70: {  	_ =	shalt  }
0x71: {  	_ =	shalt  }
0x72: {  	_ =	shalt  }
0x73: {  	_ =	shalt  }
0x74: {  	_ =	shalt  }
0x75: {  	_ =	shalt  }
0x76: {  	_ =	shalt  }
0x77: {  	_ =	shalt  }
0x78: {  	_ =	shalt  }
0x79: {  	_ =	shalt  }
0x7a: {  	_ =	shalt  }
0x7b: {  	_ =	shalt  }
0x7c: {  	_ =	shalt  }
0x7d: {  	_ =	shalt  }
0x7e: {  	_ =	shalt  }
0x7f: {  	_ =	shalt  }
0x80: {  	_ =	shalt  }
0x81: {  	_ =	shalt  }
0x82: {  	_ =	shalt  }
0x83: {  	_ =	shalt  }
0x84: {  	_ =	shalt  }
0x85: {  	_ =	shalt  }
0x86: {  	_ =	shalt  }
0x87: {  	_ =	shalt  }
.Lfunc_end0:
.L_simem_size_0:
called_computation_lowered:
.L_overlay_start_0:
0x88: {  	s2 =	sld [smem:$0x3FD9]  }
0x89: {  	s3 =	sld [smem:$0x3FFE];
	_ =	sdelay $0x1  }
0x8a: {  	s1 =	srdreg.scid  }
0x8b: {  	s0 =	sand.u32 $0x1, s1  }
0x8c: {  	s17 =	sshll.u32 s0, $0xA;
	s2 =	sadd.s32 s3, s2  }
0x8d: {  	s2 =	sadd.s32 s2, s17  }
0x8e: {  	[smem:$0x3FC2] =	sst s2  }
0x8f: {  	_ = 	snop  }
0x90: {  	s2 =	sld [smem:$0x3FD0];
	(tm) =	ssettm $0x1  }
0x91: {  	s18 =	sld [smem:$0x3FFB];
	_ =	sdelay $0x3  }
0x92: {  	_ =	strace s18  }
0x93: {  	s3 =	sld [smem:$0x3FFC];
	_ =	sdelay $0x3  }
0x94: {  	_ =	strace s3  }
0x95: {  	s3 =	sld [smem:$0x3FFD];
	_ =	sdelay $0x3  }
0x96: {  	_ =	strace s3  }
0x97: {  	_ =	strace $0x8FFFFFFF  }
0x98: {  	s19 =	sld [smem:$0x3FDB];
	_ =	sdelay $0x1  }
0x99: {  	s4 =	simm.s32 $_scs_section_size  }
0x9a: {  	s5 =	simm.s32 $_size__tile_overlayer_lowered;
	s6 =	simm.s32 $_tile_overlayer_lowered  }
0x9b: {  	s22 =	simm.s32 $0x1BFF;
	s21 =	sshll.u32 s6, $0x1;
	s3 =	sadd.s32 s4, s19  }
0x9c: {  	s7 =	simm.s32 $0x0;
	s20 =	sshll.u32 s5, $0x1;
	s5 =	sadd.s32 s21, s3  }
0x9d: {  	[timem:s7], [sflag:s22] =	dma.local [hbm:s5], s20  }
0x9e: {  	_ =	swait.ge [sflag:s22], s20  }
0x9f: {  	s4 =	ssub.s32 $0x0, s20;
	[sflag:s22] =	ssyncset.done $0x0  }
0xa0: {  	[sflag:s22] =	ssyncadd.s32 s4;
	_ =	sdelay $0x1  }
0xa1: {  	s23 =	simm.s32 $0x1B8B  }
0xa2: {  	_ =	swait.ge [sflag:s23], $0x1  }
0xa3: {  	[sflag:s23] =	ssyncset.done $0x0  }
0xa4: {  	s25 =	simm.s32 $0x1B8E;
	s24 =	sld [smem:$0x3FFE];
	[sflag:s23] =	ssyncadd.s32 $0xFFFFFFFF  }
0xa5: {  	s26 =	simm.s32 $execute0_lowered;
	[smem:$0x3FD2] =	sst s25  }
0xa6: {  	s5 =	sshll.u32 s26, $0x1;
	_ =	strace $0x80000046;
	[dreg:$0x1] =	wrdreg $0xFFFFFFFF  }
0xa7: {  	s28 =	simm.s32 $_size_execute0_lowered;
	s3 =	sadd.s32 s3, s5;
	[dreg:$0x0] =	wrdreg $0x0  }
0xa8: {  	s5 =	sshll.u32 s28, $0x1;
	[dreg:$0x2] =	wrdreg s3  }
0xa9: {  	[dreg:$0x3] =	wrdreg s5  }
0xaa: {  	[dreg:$0x4] =	wrdreg $0xC0  }
0xab: {  	_ =	task [dreg:s7], $0x5FFFF  }
0xac: {  	[dreg:$0x1] =	wrdreg $0xFFFFFFFF  }
0xad: {  	[dreg:$0x0] =	wrdreg $0x60  }
0xae: {  	[dreg:$0x2] =	wrdreg s24  }
0xaf: {  	[dreg:$0x3] =	wrdreg s2  }
0xb0: {  	[dreg:$0x4] =	wrdreg $0x9  }
0xb1: {  	_ =	task.clear_ibuf [dreg:s7], $0x5FFFF;
	_ =	strace $0x90000046  }
0xb2: {  	s29 =	simm.s32 $0x9;
	_ =	strace $0x80000048  }
0xb3: {  	_ =	swait.ge [sflag:s29], $0x1  }
0xb4: {  	[sflag:s29] =	ssyncadd.s32 $0xFFFFFFFF  }
0xb5: {  	_ =	strace $0x90000048  }
0xb6: {  	_ =	sfence  }
0xb7: {  	s30 =	sld [smem:$0x0];
	_ =	sdelay $0x2  }
0xb8: {  	s31 =	sshll.u32 s1, $0xD;
	s1 =	sshrl.u32 s1, $0x2  }
0xb9: {  	s3 =	sand.u32 $0x4000, s31;
	s1 =	sadd.s32 s1, s30  }
0xba: {  	s0 =	sor.u32 s3, s0;
	s1 =	sshll.u32 s1, $0x11  }
0xbb: {  	s0 =	sor.u32 s1, s0  }
0xbc: {  	s0 =	sadd.s32 $0x8F2B, s0  }
0xbd: {  	[sflag:s0] =	ssyncadd.remote.s32 $0x1  }
0xbe: {  	_ =	sfence.sel $0xFFFF  }
0xbf: {  	[dreg:$0x0] =	wrdreg $0xFFFFFFFF;
	(pc) =	sbr.abs _section_cstart, $3  }
0xc0: {  	[dreg:$0x1] =	wrdreg $0xFFFFFFFF  }
0xc1: {  	_ =	task.clear_ibuf [dreg:s7], $0x2FFFF;
	_ =	strace $0x9FFFFFFF  }
0xc2: {  	(tm) =	ssettm $0x7FFFFFFF  }
0xc3: {  	_ =	shalt  }
tec
execute0_lowered:
.L_overlay_start_1:
0x0: {  	(tag) =	ssettag $0x1  }
0x1: {  	s1 =	srdreg.scid;
	s0 =	stileid.u32  }
0x2: {  	s2 =	sand.u32 $0x1, s1;
	s3 =	sshll.u32 s0, $0x1  }
0x3: {  	s4 =	sor.u32 s2, s3  }
0x4: {  	s26 =	smul.u32 $0x25, s4;
	_ =	sdelay $0x1  }
0x5: {  	s1 =	sshrl.u32 s26, $0x9  }
0x6: {  	s6 =	smul.u32 $0xE, s1  }
0x7: {  	s8 =	simm.s32 $0x0  }
0x8: {  	[smem:$0x7FF] =	sst s8;
	s9 =	ssub.s32 $0x2, s2;
	s4 =	ssub.s32 s4, s6  }
0x9: {  	s29 =	sshrl.u32 s9, $0x1;
	s6 =	sshll.u32 s4, $0x2;
	s28 =	sshll.u32 s4, $0x3  }
0xa: {  	s30 =	ssub.s32 s9, s29;
	s8 =	sand.u32 $0x60, s28;
	s6 =	sand.u32 $0xC, s6  }
0xb: {  	s6 =	sor.u32 s6, s8;
	s8 =	smax.u32 s30, $0x1  }
0xc: {  	s5 =	rddreg [dreg:$0x0];
	s17 =	sadd.s32 $0xFFFFFFFF, s8  }
0xd: {  	s7 =	rddreg [dreg:$0x1];
	p3 =	sne.s32 s17, $0x0  }
.Ltmp0:
0xe: {  	p2 =	por $0x0, $0x0;
	p1 =	sgt.u32 s0, $0x6;
	(pc) =	sbr.rel @!p3 .LBB2_3-.Ltmp0, $4  }
0xf: {  	s2 =	sadd.s32 $0xC00, s5;
	s31 =	sadd.s32 $0xFFFFFFF2, s3;
	s4 =	sand.u32 $0xFF, s4  }
0x10: {  	p0 =	sgt.u32 s31, $0xD;
	s1 =	rddreg [dreg:$0x2];
	s4 =	sshll.u32 s4, $0x9  }
0x11: {  	_ =	strace $0x80000047;
	s10 =	sadd.s32 s6, s5;
	s5 =	sadd.s32 s7, s4  }
0x12: {  	s6 =	sadd.s32 $0xA00, s10;
	s4 =	sadd.s32 $0xA10, s10;
	s3 =	sadd.s32 $0x1C00, s5  }
0x13: {  	s7 =	simm.s32 @!p1 $0x0;
	s8 =	simm.s32 @!p1 $0x2  }
0x14: {  	[tilespmem:s7], [sflag:$0x2] =	stream.linear.gather @!p1 [hbm4b:s6+s7], $0x20, $0x38;
	[tilespmem:$0x1080] =	vst v63  }
0x15: {  	_ =	swait.ge @!p1 [sflag:s8], $0x20  }
0x16: {  	s9 =	simm.s32 @!p1 $0x1;
	[sflag:s8] =	ssyncset.done @!p1 $0x0  }
0x17: {  	s10 =	simm.s32 @!p1 $0x20;
	s11 =	simm.s32 @!p1 $0x80;
	[sflag:s8] =	ssyncadd.s32 @!p1 $0xFFFFFFE0  }
0x18: {  	[tilespmem:s11], [sflag:$0x1] =	stream.indirect.gather @!p1 [hbm4b:s2+s10], $0x80, s7, s10, $0xb8;
	[tilespmem:$0x1080] =	vst v63  }
0x19: {  	_ =	swait.ge @!p1 [sflag:s9], $0x1000  }
0x1a: {  	[sflag:s9] =	ssyncset.done @!p1 $0x0  }
0x1b: {  	[sflag:s9] =	ssyncadd.s32 @!p1 $0xFFFFF000  }
0x1c: {  	[hbm4b:s5+s7] =	stream.linear.scatter @!p1 [tilespmem:s11], [sflag:$0x2], $0x1000, $0x38;
	[tilespmem:$0x1080] =	vst v63  }
0x1d: {  	_ =	swait.ge @!p1 [sflag:s8], $0x1000  }
0x1e: {  	[sflag:s8] =	ssyncset.done @!p1 $0x0  }
0x1f: {  	s13 =	simm.s32 @!p0 $0x0;
	s12 =	simm.s32 @!p0 $0x2;
	[sflag:s8] =	ssyncadd.s32 @!p1 $0xFFFFF000  }
0x20: {  	[tilespmem:s13], [sflag:$0x2] =	stream.linear.gather @!p0 [hbm4b:s4+s13], $0x20, $0x38;
	[tilespmem:$0x1080] =	vst v63  }
0x21: {  	_ =	swait.ge @!p0 [sflag:s12], $0x20  }
0x22: {  	s14 =	simm.s32 @!p0 $0x1;
	s15 =	simm.s32 @!p0 $0x20;
	[sflag:s12] =	ssyncset.done @!p0 $0x0  }
0x23: {  	s16 =	simm.s32 @!p0 $0x80;
	s17 =	sadd.s32 $0xFFFFFFFF, s17;
	[sflag:s12] =	ssyncadd.s32 @!p0 $0xFFFFFFE0  }
0x24: {  	[tilespmem:s16], [sflag:$0x1] =	stream.indirect.gather @!p0 [hbm4b:s2+s15], $0x80, s13, s15, $0xb8;
	[tilespmem:$0x1080] =	vst v63  }
0x25: {  	p3 =	sne.s32 s17, $0x0;
	_ =	swait.ge @!p0 [sflag:s14], $0x1000  }
.Ltmp1:
0x26: {  	[sflag:s14] =	ssyncset.done @!p0 $0x0;
	(pc) =	sbr.rel @!p3 .LBB2_3-.Ltmp1, $4  }
0x27: {  	[sflag:s14] =	ssyncadd.s32 @!p0 $0xFFFFF000  }
0x28: {  	[hbm4b:s3+s13] =	stream.linear.scatter @!p0 [tilespmem:s16], [sflag:$0x2], $0x1000, $0x38;
	[tilespmem:$0x1080] =	vst v63  }
0x29: {  	_ =	swait.ge @!p0 [sflag:s12], $0x1000  }
0x2a: {  	p2 =	por $0x1, $0x1;
	[sflag:s12] =	ssyncset.done @!p0 $0x0  }
.LBB2_2:
0x2b: {  	[sflag:s12] =	ssyncadd.s32 @!p0 $0xFFFFF000  }
0x2c: {  	[tilespmem:s7], [sflag:$0x2] =	stream.linear.gather @!p1 [hbm4b:s6+s7], $0x20, $0x38;
	[tilespmem:$0x1080] =	vst v63  }
0x2d: {  	s17 =	sadd.s32 $0xFFFFFFFF, s17;
	_ =	swait.ge @!p1 [sflag:s8], $0x20  }
0x2e: {  	p3 =	sne.s32 s17, $0x0;
	[sflag:s8] =	ssyncset.done @!p1 $0x0  }
0x2f: {  	[sflag:s8] =	ssyncadd.s32 @!p1 $0xFFFFFFE0  }
0x30: {  	[tilespmem:s11], [sflag:$0x1] =	stream.indirect.gather @!p1 [hbm4b:s2+s10], $0x80, s7, s10, $0xb8;
	[tilespmem:$0x1080] =	vst v63  }
0x31: {  	_ =	swait.ge @!p1 [sflag:s9], $0x1000  }
0x32: {  	[sflag:s9] =	ssyncset.done @!p1 $0x0  }
0x33: {  	[sflag:s9] =	ssyncadd.s32 @!p1 $0xFFFFF000  }
0x34: {  	[hbm4b:s5+s7] =	stream.linear.scatter @!p1 [tilespmem:s11], [sflag:$0x2], $0x1000, $0x38;
	[tilespmem:$0x1080] =	vst v63  }
0x35: {  	_ =	swait.ge @!p1 [sflag:s8], $0x1000  }
0x36: {  	[sflag:s8] =	ssyncset.done @!p1 $0x0  }
0x37: {  	[sflag:s8] =	ssyncadd.s32 @!p1 $0xFFFFF000  }
0x38: {  	[tilespmem:s13], [sflag:$0x2] =	stream.linear.gather @!p0 [hbm4b:s4+s13], $0x20, $0x38;
	[tilespmem:$0x1080] =	vst v63  }
0x39: {  	_ =	swait.ge @!p0 [sflag:s12], $0x20  }
0x3a: {  	[sflag:s12] =	ssyncset.done @!p0 $0x0  }
0x3b: {  	[sflag:s12] =	ssyncadd.s32 @!p0 $0xFFFFFFE0  }
0x3c: {  	[tilespmem:s16], [sflag:$0x1] =	stream.indirect.gather @!p0 [hbm4b:s2+s15], $0x80, s13, s15, $0xb8;
	[tilespmem:$0x1080] =	vst v63  }
0x3d: {  	_ =	swait.ge @!p0 [sflag:s14], $0x1000  }
.Ltmp2:
0x3e: {  	[sflag:s14] =	ssyncset.done @!p0 $0x0;
	(pc) =	sbr.rel @p3 .LBB2_2-.Ltmp2, $4  }
0x3f: {  	[sflag:s14] =	ssyncadd.s32 @!p0 $0xFFFFF000  }
0x40: {  	[hbm4b:s3+s13] =	stream.linear.scatter @!p0 [tilespmem:s16], [sflag:$0x2], $0x1000, $0x38;
	[tilespmem:$0x1080] =	vst v63  }
0x41: {  	_ =	swait.ge @!p0 [sflag:s12], $0x1000  }
0x42: {  	[sflag:s12] =	ssyncset.done @!p0 $0x0  }
.LBB2_3:
0x43: {  	p2 =	por p0, !p2  }
0x44: {  	s7 =	simm.s32 @!p1 $0x0;
	s8 =	simm.s32 @!p1 $0x2;
	[sflag:s12] =	ssyncadd.s32 @!p2 $0xFFFFF000  }
0x45: {  	[tilespmem:s7], [sflag:$0x2] =	stream.linear.gather @!p1 [hbm4b:s6+s7], $0x20, $0x38;
	[tilespmem:$0x1080] =	vst v63  }
0x46: {  	_ =	swait.ge @!p1 [sflag:s8], $0x20  }
0x47: {  	s9 =	simm.s32 @!p1 $0x20;
	[sflag:s8] =	ssyncset.done @!p1 $0x0  }
0x48: {  	s10 =	simm.s32 @!p1 $0x80;
	s6 =	simm.s32 @!p1 $0x1;
	[sflag:s8] =	ssyncadd.s32 @!p1 $0xFFFFFFE0  }
0x49: {  	[tilespmem:s10], [sflag:$0x1] =	stream.indirect.gather @!p1 [hbm4b:s2+s9], $0x80, s7, s9, $0xb8;
	[tilespmem:$0x1080] =	vst v63  }
0x4a: {  	_ =	swait.ge @!p1 [sflag:s6], $0x1000  }
0x4b: {  	[sflag:s6] =	ssyncset.done @!p1 $0x0  }
0x4c: {  	[sflag:s6] =	ssyncadd.s32 @!p1 $0xFFFFF000  }
0x4d: {  	[hbm4b:s5+s7] =	stream.linear.scatter @!p1 [tilespmem:s10], [sflag:$0x2], $0x1000, $0x38;
	[tilespmem:$0x1080] =	vst v63  }
0x4e: {  	_ =	swait.ge @!p1 [sflag:s8], $0x1000  }
0x4f: {  	[sflag:s8] =	ssyncset.done @!p1 $0x0  }
0x50: {  	s6 =	simm.s32 @!p0 $0x2;
	s5 =	simm.s32 @!p0 $0x0;
	[sflag:s8] =	ssyncadd.s32 @!p1 $0xFFFFF000  }
0x51: {  	[tilespmem:s5], [sflag:$0x2] =	stream.linear.gather @!p0 [hbm4b:s4+s5], $0x20, $0x38;
	[tilespmem:$0x1080] =	vst v63  }
0x52: {  	_ =	swait.ge @!p0 [sflag:s6], $0x20  }
0x53: {  	s7 =	simm.s32 @!p0 $0x20;
	[sflag:s6] =	ssyncset.done @!p0 $0x0  }
0x54: {  	s8 =	simm.s32 @!p0 $0x80;
	s4 =	simm.s32 @!p0 $0x1;
	[sflag:s6] =	ssyncadd.s32 @!p0 $0xFFFFFFE0  }
0x55: {  	[tilespmem:s8], [sflag:$0x1] =	stream.indirect.gather @!p0 [hbm4b:s2+s7], $0x80, s5, s7, $0xb8;
	[tilespmem:$0x1080] =	vst v63  }
0x56: {  	_ =	swait.ge @!p0 [sflag:s4], $0x1000  }
0x57: {  	[sflag:s4] =	ssyncset.done @!p0 $0x0  }
0x58: {  	[sflag:s4] =	ssyncadd.s32 @!p0 $0xFFFFF000  }
0x59: {  	[hbm4b:s3+s5] =	stream.linear.scatter @!p0 [tilespmem:s8], [sflag:$0x2], $0x1000, $0x38;
	[tilespmem:$0x1080] =	vst v63  }
0x5a: {  	_ =	swait.ge @!p0 [sflag:s6], $0x1000  }
0x5b: {  	[sflag:s6] =	ssyncset.done @!p0 $0x0  }
0x5c: {  	[sflag:s6] =	ssyncadd.s32 @!p0 $0xFFFFF000  }
0x5d: {  	_ =	sfence.sel $0x180000  }
0x5e: {  	[bflag:$0x0] =	sbarrier.arrive $0xFFFF  }
0x5f: {  	p0 =	sne.s32 s0, $0x0;
	_ =	strace $0x90000047  }
0x60: {  	s0 =	sadd.s32 @!p0 $0x100000, s1;
	[bflag:$0x2] =	sbarrier.arrive $0xFFFF  }
0x61: {  	[sflag:s0] =	ssyncadd.tile.s32 @!p0 $0x1;
	_ =	shalt  }
.Lfunc_end2:
_tile_overlayer_lowered:
.L_overlay_start_2:
0x62: {  	(tag) =	ssettag $0x2  }
0x63: {  	s0 =	rddreg [dreg:$0x0];
	s2 =	stileid.u32  }
0x64: {  	s1 =	rddreg [dreg:$0x1];
	p0 =	sne.s32 s2, $0x0  }
0x65: {  	s3 =	rddreg [dreg:$0x2];
	[bflag:$0x3] =	sbarrier.arrive $0xFFFF;
	s2 =	simm.s32 @!p0 $0x1C02  }
0x66: {  	[timem:s3], [sflag:s2] =	dma.local @!p0 [hbm:s0], s1  }
0x67: {  	s0 =	simm.s32 @!p0 $0x2  }
0x68: {  	_ =	swait.ge @!p0 [sflag:s0], s1  }
0x69: {  	s1 =	ssub.s32 @!p0 $0x0, s1;
	[sflag:s0] =	ssyncset.done @!p0 $0x0  }
0x6a: {  	[sflag:s0] =	ssyncadd.s32 @!p0 s1  }
0x6b: {  	[bflag:$0x3] =	sbarrier.arrive $0xFFFF  }
0x6c: {  	_ =	shalt  }

</sc_bundles>
